<compile_context>
chip_gen: v7x
topology: tpu7x:2x2x1
jax: 0.10.2.dev20260603
libtpu: 0.0.44.dev20260713+nightly
codegen_flags: <defaults>
</compile_context>

<pallas_src>
import functools
import math

import jax
import jax.numpy as jnp
from jax import lax
from jax.experimental import pallas as pl
from jax.experimental.pallas import tpu as pltpu
from jax.experimental.pallas import tpu_sc as plsc

DIM = 64
ROW_W = 128

_NC = 2
_NS = 16
_NW = _NC * _NS

_CHUNK = 256
_IDX_W = 128


def _sc_gather(table128, idx, n_rows):
    per_w = n_rows // _NW
    n_chunks = per_w // _CHUNK
    n_streams = _CHUNK // _IDX_W

    mesh = plsc.VectorSubcoreMesh(
        core_axis_name="c", subcore_axis_name="s",
        num_cores=_NC, num_subcores=_NS)

    @functools.partial(
        pl.kernel,
        mesh=mesh,
        out_type=jax.ShapeDtypeStruct((n_rows, ROW_W), jnp.float32),
        scratch_types=[
            pltpu.VMEM((2, _CHUNK), jnp.int32),
            pltpu.VMEM((2, _CHUNK, ROW_W), jnp.float32),
            pltpu.SemaphoreType.DMA,
            pltpu.SemaphoreType.DMA,
        ],
        compiler_params=pltpu.CompilerParams(use_tc_tiling_on_sc=False),
    )
    def k(table_hbm, idx_hbm, out_hbm, idx_v, rows_v, sem_g, sem_o):
        wid = lax.axis_index("s") * _NC + lax.axis_index("c")
        wbase = wid * per_w

        def fire_gather(c):
            p = lax.rem(c, 2)
            base = wbase + c * _CHUNK
            pltpu.sync_copy(idx_hbm.at[pl.ds(base, _CHUNK)], idx_v.at[p])
            for j in range(n_streams):
                pltpu.async_copy(
                    table_hbm.at[idx_v.at[p, pl.ds(j * _IDX_W, _IDX_W)]],
                    rows_v.at[p, pl.ds(j * _IDX_W, _IDX_W)],
                    sem_g)

        def wait_gather(c):
            p = lax.rem(c, 2)
            for j in range(n_streams):
                pltpu.make_async_copy(
                    table_hbm.at[idx_v.at[p, pl.ds(j * _IDX_W, _IDX_W)]],
                    rows_v.at[p, pl.ds(j * _IDX_W, _IDX_W)],
                    sem_g).wait()

        def drain_out():
            pltpu.make_async_copy(
                rows_v.at[0], out_hbm.at[pl.ds(wbase, _CHUNK)],
                sem_o).wait()

        def chunk_body(c, _):
            @pl.when(c >= 1)
            def _():
                drain_out()

            @pl.when(c + 1 < n_chunks)
            def _():
                fire_gather(c + 1)

            wait_gather(c)

            p = lax.rem(c, 2)
            base = wbase + c * _CHUNK
            pltpu.async_copy(
                rows_v.at[p], out_hbm.at[pl.ds(base, _CHUNK)], sem_o)
            return ()

        fire_gather(0)
        lax.fori_loop(0, n_chunks, chunk_body, (), unroll=False)
        drain_out()

    return k(table128, idx)


def _ln_body(emb_ref, pe_ref, g_ref, b_ref, out_ref):
    e = emb_ref[..., :DIM] + pe_ref[...]
    mu = jnp.mean(e, axis=-1, keepdims=True)
    var = jnp.mean(jnp.square(e - mu), axis=-1, keepdims=True)
    out_ref[...] = (e - mu) * lax.rsqrt(var + 1e-5) * g_ref[...] + b_ref[...]


def _tc_ln(emb, pe, gamma, beta):
    b, l, d2 = emb.shape
    d = DIM
    bb = 32
    return pl.pallas_call(
        _ln_body,
        grid=(b // bb,),
        in_specs=[
            pl.BlockSpec((bb, l, d2), lambda i: (i, 0, 0)),
            pl.BlockSpec((1, l, d), lambda i: (0, 0, 0)),
            pl.BlockSpec((1, 1, d), lambda i: (0, 0, 0)),
            pl.BlockSpec((1, 1, d), lambda i: (0, 0, 0)),
        ],
        out_specs=pl.BlockSpec((bb, l, d), lambda i: (i, 0, 0)),
        out_shape=jax.ShapeDtypeStruct((b, l, d), jnp.float32),
    )(emb, pe, gamma, beta)


def _pe_table(length, d):
    position = jnp.arange(length, dtype=jnp.float32)[:, None]
    div_term = jnp.exp(
        jnp.arange(0, d, 2, dtype=jnp.float32) * (-math.log(10000.0) / d))
    ang = position * div_term
    return jnp.stack([jnp.sin(ang), jnp.cos(ang)], axis=-1).reshape(length, d)


def kernel(x, word_embeddings_weight, ln_gamma, ln_beta):
    b, l = x.shape
    n = b * l
    table128 = jnp.pad(word_embeddings_weight, ((0, 0), (0, ROW_W - DIM)))
    gathered = _sc_gather(table128, x.reshape(n), n)
    pe = _pe_table(l, DIM)[None]
    g = ln_gamma.reshape(1, 1, DIM)
    be = ln_beta.reshape(1, 1, DIM)
    return _tc_ln(gathered.reshape(b, l, ROW_W), pe, g, be)

# --- scband reference (transcript-rebuilt; emitter-appended) ---
"""Pipeline reference for scband-embeddings-4458176053342 (READ-ONLY COPY).

The authoritative reference and input builder live on the scoring server;
editing this copy changes nothing except your own understanding.
"""

import jax, jax.numpy as jnp
import numpy as np
import math

VOCAB = 1000000
DIM = 64
MAX_LEN = 5000

def _make_pe(max_len, d):
    position = jnp.arange(max_len, dtype=jnp.float32)[:, None]
    div_term = jnp.exp(jnp.arange(0, d, 2, dtype=jnp.float32) * (-math.log(10000.0) / d))
    ang = position * div_term
    pe = jnp.zeros((max_len, d), dtype=jnp.float32)
    pe = pe.at[:, 0::2].set(jnp.sin(ang))
    pe = pe.at[:, 1::2].set(jnp.cos(ang))
    return pe[None]

def setup_inputs(seed: int = 0) -> dict:
    key = jax.random.key(seed)
    k1, k2 = jax.random.split(key)
    x = jax.random.randint(k1, (1024, 200), 0, VOCAB, dtype=jnp.int32)
    table = jax.random.normal(k2, (VOCAB, DIM), dtype=jnp.float32) * 0.02
    table = table.at[1].set(0.0)  # padding_idx=1 row initialized to zeros
    gamma = jnp.ones((DIM,), dtype=jnp.float32)
    beta = jnp.zeros((DIM,), dtype=jnp.float32)
    return {"x": x, "word_embeddings_weight": table, "ln_gamma": gamma, "ln_beta": beta}

def reference(x, word_embeddings_weight, ln_gamma, ln_beta):
    # embedding gather
    emb = jnp.take(word_embeddings_weight, x, axis=0)  # [B, L, D]
    # positional encoding (with_pos=True)
    pe = _make_pe(MAX_LEN, DIM)
    emb = emb + pe[:, :emb.shape[1]]
    # LayerNorm (eps=1e-5, biased variance, matching torch)
    mu = jnp.mean(emb, axis=-1, keepdims=True)
    var = jnp.var(emb, axis=-1, keepdims=True)
    normed = (emb - mu) / jnp.sqrt(var + 1e-5)
    out = normed * ln_gamma + ln_beta
    # dropout is identity at inference
    return out

if __name__ == "__main__":
    import jax
    _d = setup_inputs()
    print(jax.jit(kernel)(*tuple(_d.values())))

</pallas_src>

<mosaic_0001>
#map = affine_map<(d0, d1) -> (0, 0)>
#map1 = affine_map<(d0, d1) -> (0)>
module attributes {stable_mosaic.version = 14 : i64} {
  func.func @k(%arg0: i32, %arg1: i32, %arg2: memref<1000000x128xf32, #tpu.memory_space<hbm>>, %arg3: memref<204800xi32, #tpu.memory_space<hbm>>, %arg4: memref<204800x128xf32, #tpu.memory_space<hbm>>, %arg5: memref<2x256xi32, #tpu.memory_space<vmem>>, %arg6: memref<2x256x128xf32, #tpu.memory_space<vmem>>, %arg7: memref<!tpu.dma_semaphore, #tpu.memory_space<semaphore_mem>>, %arg8: memref<!tpu.dma_semaphore, #tpu.memory_space<semaphore_mem>>) attributes {dimension_semantics = [#tpu.dimension_semantics<core_parallel>, #tpu.dimension_semantics<subcore_parallel>], iteration_bounds = array<i64: 2, 16>, scalar_prefetch = 0 : i64, scratch_operands = 4 : i64, tpu.core_type = #tpu.core_type<sc_vector_subcore>, window_params = [{transform_indices = #map}, {transform_indices = #map1}, {transform_indices = #map}]} {
    %mul3A = arith.constant 2 : i32
    %mul3A_0 = arith.muli %arg1, %mul3A : i32
    %add3A = arith.addi %mul3A_0, %arg0 : i32
    %mul3A_1 = arith.constant 6400 : i32
    %mul3A_2 = arith.muli %add3A, %mul3A_1 : i32
    %rem3A = arith.constant 0 : i32
    %rem3A_3 = arith.constant 2 : i32
    %rem3A_4 = arith.remsi %rem3A, %rem3A_3 : i32
    %add3A_5 = arith.constant 0 : i32
    %add3A_6 = arith.addi %mul3A_2, %add3A_5 : i32
    "tpu.region"() ({
      %run_scoped3A = tpu.sem_alloc : memref<!tpu.dma_semaphore, #tpu.memory_space<semaphore_mem>>
      %dma_start3A_42 = arith.constant 0 : i32
      %dma_start3A_43 = tpu.memref_slice %arg5[%rem3A_4, %dma_start3A_42] : memref<2x256xi32, #tpu.memory_space<vmem>> -> memref<1x256xi32, #tpu.memory_space<vmem>>
      %dma_start3A_44 = tpu.memref_squeeze %dma_start3A_43 : memref<1x256xi32, #tpu.memory_space<vmem>> -> memref<256xi32, #tpu.memory_space<vmem>>
      %dma_start3A_45 = tpu.memref_slice %arg3[%add3A_6] : memref<204800xi32, #tpu.memory_space<hbm>> -> memref<256xi32, #tpu.memory_space<hbm>>
      %dma_start3A_46 = arith.constant 0 : i32
      %dma_start3A_47 = tpu.memref_slice %arg5[%rem3A_4, %dma_start3A_46] : memref<2x256xi32, #tpu.memory_space<vmem>> -> memref<1x256xi32, #tpu.memory_space<vmem>>
      %dma_start3A_48 = tpu.memref_squeeze %dma_start3A_47 : memref<1x256xi32, #tpu.memory_space<vmem>> -> memref<256xi32, #tpu.memory_space<vmem>>
      %dma_start3A_49 = tpu.memref_slice %arg3[%add3A_6] : memref<204800xi32, #tpu.memory_space<hbm>> -> memref<256xi32, #tpu.memory_space<hbm>>
      tpu.enqueue_dma source(%dma_start3A_49 : memref<256xi32, #tpu.memory_space<hbm>>) target(%dma_start3A_48 : memref<256xi32, #tpu.memory_space<vmem>>) target_semaphore(%run_scoped3A : memref<!tpu.dma_semaphore, #tpu.memory_space<semaphore_mem>>)
      %dma_wait3A_50 = arith.constant 0 : i32
      %dma_wait3A_51 = tpu.memref_slice %arg5[%rem3A_4, %dma_wait3A_50] : memref<2x256xi32, #tpu.memory_space<vmem>> -> memref<1x256xi32, #tpu.memory_space<vmem>>
      %dma_wait3A_52 = tpu.memref_squeeze %dma_wait3A_51 : memref<1x256xi32, #tpu.memory_space<vmem>> -> memref<256xi32, #tpu.memory_space<vmem>>
      %dma_wait3A_53 = tpu.memref_slice %arg3[%add3A_6] : memref<204800xi32, #tpu.memory_space<hbm>> -> memref<256xi32, #tpu.memory_space<hbm>>
      %dma_wait3A_54 = arith.constant 0 : i32
      %dma_wait3A_55 = tpu.memref_slice %arg5[%rem3A_4, %dma_wait3A_54] : memref<2x256xi32, #tpu.memory_space<vmem>> -> memref<1x256xi32, #tpu.memory_space<vmem>>
      %dma_wait3A_56 = tpu.memref_squeeze %dma_wait3A_55 : memref<1x256xi32, #tpu.memory_space<vmem>> -> memref<256xi32, #tpu.memory_space<vmem>>
      %dma_wait3A_57 = tpu.memref_slice %arg3[%add3A_6] : memref<204800xi32, #tpu.memory_space<hbm>> -> memref<256xi32, #tpu.memory_space<hbm>>
      tpu.wait_dma2 semaphore(%run_scoped3A : memref<!tpu.dma_semaphore, #tpu.memory_space<semaphore_mem>>) src(%dma_wait3A_57 : memref<256xi32, #tpu.memory_space<hbm>>) dst(%dma_wait3A_56 : memref<256xi32, #tpu.memory_space<vmem>>)
      tpu.yield
    }) : () -> ()
    %dma_start3A = arith.constant 0 : i32
    %dma_start3A_7 = arith.constant 0 : i32
    %dma_start3A_8 = tpu.memref_slice %arg6[%rem3A_4, %dma_start3A, %dma_start3A_7] : memref<2x256x128xf32, #tpu.memory_space<vmem>> -> memref<1x128x128xf32, #tpu.memory_space<vmem>>
    %dma_start3A_9 = tpu.memref_squeeze %dma_start3A_8 : memref<1x128x128xf32, #tpu.memory_space<vmem>> -> memref<128x128xf32, #tpu.memory_space<vmem>>
    %dma_start3A_10 = arith.constant 0 : i32
    %dma_start3A_11 = tpu.memref_slice %arg5[%rem3A_4, %dma_start3A_10] : memref<2x256xi32, #tpu.memory_space<vmem>> -> memref<1x128xi32, #tpu.memory_space<vmem>>
    %dma_start3A_12 = tpu.memref_squeeze %dma_start3A_11 : memref<1x128xi32, #tpu.memory_space<vmem>> -> memref<128xi32, #tpu.memory_space<vmem>>
    %dma_start3A_13 = arith.constant 0 : i32
    %dma_start3A_14 = arith.constant 0 : i32
    %dma_start3A_15 = tpu.memref_slice %arg2[%dma_start3A_13, %dma_start3A_14] : memref<1000000x128xf32, #tpu.memory_space<hbm>> -> memref<1000000x128xf32, #tpu.memory_space<hbm>>
    tpu.enqueue_indirect_dma source(%dma_start3A_15 : memref<1000000x128xf32, #tpu.memory_space<hbm>>) target(%dma_start3A_9 : memref<128x128xf32, #tpu.memory_space<vmem>>) offsets(%dma_start3A_12 : memref<128xi32, #tpu.memory_space<vmem>>) semaphore(%arg7 : memref<!tpu.dma_semaphore, #tpu.memory_space<semaphore_mem>>)
    %dma_start3A_16 = arith.constant 128 : i32
    %dma_start3A_17 = arith.constant 0 : i32
    %dma_start3A_18 = tpu.memref_slice %arg6[%rem3A_4, %dma_start3A_16, %dma_start3A_17] : memref<2x256x128xf32, #tpu.memory_space<vmem>> -> memref<1x128x128xf32, #tpu.memory_space<vmem>>
    %dma_start3A_19 = tpu.memref_squeeze %dma_start3A_18 : memref<1x128x128xf32, #tpu.memory_space<vmem>> -> memref<128x128xf32, #tpu.memory_space<vmem>>
    %dma_start3A_20 = arith.constant 128 : i32
    %dma_start3A_21 = tpu.memref_slice %arg5[%rem3A_4, %dma_start3A_20] : memref<2x256xi32, #tpu.memory_space<vmem>> -> memref<1x128xi32, #tpu.memory_space<vmem>>
    %dma_start3A_22 = tpu.memref_squeeze %dma_start3A_21 : memref<1x128xi32, #tpu.memory_space<vmem>> -> memref<128xi32, #tpu.memory_space<vmem>>
    %dma_start3A_23 = arith.constant 0 : i32
    %dma_start3A_24 = arith.constant 0 : i32
    %dma_start3A_25 = tpu.memref_slice %arg2[%dma_start3A_23, %dma_start3A_24] : memref<1000000x128xf32, #tpu.memory_space<hbm>> -> memref<1000000x128xf32, #tpu.memory_space<hbm>>
    tpu.enqueue_indirect_dma source(%dma_start3A_25 : memref<1000000x128xf32, #tpu.memory_space<hbm>>) target(%dma_start3A_19 : memref<128x128xf32, #tpu.memory_space<vmem>>) offsets(%dma_start3A_22 : memref<128xi32, #tpu.memory_space<vmem>>) semaphore(%arg7 : memref<!tpu.dma_semaphore, #tpu.memory_space<semaphore_mem>>)
    %scan3A = arith.constant 0 : i32
    %scan3A_26 = arith.constant 25 : i32
    %scan3A_27 = arith.addi %scan3A, %scan3A_26 : i32
    %scan3A_28 = arith.constant 1 : i32
    scf.for %scan3A_42 = %scan3A to %scan3A_27 step %scan3A_28  : i32 {
      %ge3A = arith.constant 1 : i32
      %ge3A_43 = arith.cmpi sge, %scan3A_42, %ge3A : i32
      %convert_element_type3A = arith.extui %ge3A_43 : i1 to i32
      %cond3A = arith.constant 0 : i32
      %cond3A_44 = arith.cmpi ne, %convert_element_type3A, %cond3A : i32
      scf.if %cond3A_44 {
        %dma_wait3A_90 = arith.constant 0 : i32
        %dma_wait3A_91 = arith.constant 0 : i32
        %dma_wait3A_92 = arith.constant 0 : i32
        %dma_wait3A_93 = tpu.memref_slice %arg6[%dma_wait3A_90, %dma_wait3A_91, %dma_wait3A_92] : memref<2x256x128xf32, #tpu.memory_space<vmem>> -> memref<1x256x128xf32, #tpu.memory_space<vmem>>
        %dma_wait3A_94 = tpu.memref_squeeze %dma_wait3A_93 : memref<1x256x128xf32, #tpu.memory_space<vmem>> -> memref<256x128xf32, #tpu.memory_space<vmem>>
        %dma_wait3A_95 = arith.constant 0 : i32
        %dma_wait3A_96 = tpu.memref_slice %arg4[%mul3A_2, %dma_wait3A_95] : memref<204800x128xf32, #tpu.memory_space<hbm>> -> memref<256x128xf32, #tpu.memory_space<hbm>>
        %dma_wait3A_97 = arith.constant 0 : i32
        %dma_wait3A_98 = tpu.memref_slice %arg4[%mul3A_2, %dma_wait3A_97] : memref<204800x128xf32, #tpu.memory_space<hbm>> -> memref<256x128xf32, #tpu.memory_space<hbm>>
        %dma_wait3A_99 = arith.constant 0 : i32
        %dma_wait3A_100 = arith.constant 0 : i32
        %dma_wait3A_101 = tpu.memref_slice %arg6[%dma_wait3A_90, %dma_wait3A_99, %dma_wait3A_100] : memref<2x256x128xf32, #tpu.memory_space<vmem>> -> memref<1x256x128xf32, #tpu.memory_space<vmem>>
        %dma_wait3A_102 = tpu.memref_squeeze %dma_wait3A_101 : memref<1x256x128xf32, #tpu.memory_space<vmem>> -> memref<256x128xf32, #tpu.memory_space<vmem>>
        tpu.wait_dma2 semaphore(%arg8 : memref<!tpu.dma_semaphore, #tpu.memory_space<semaphore_mem>>) src(%dma_wait3A_102 : memref<256x128xf32, #tpu.memory_space<vmem>>) dst(%dma_wait3A_98 : memref<256x128xf32, #tpu.memory_space<hbm>>)
      } else {
      }
      %add3A_45 = arith.constant 1 : i32
      %add3A_46 = arith.addi %scan3A_42, %add3A_45 : i32
      %lt3A = arith.constant 25 : i32
      %lt3A_47 = arith.cmpi slt, %add3A_46, %lt3A : i32
      %convert_element_type3A_48 = arith.extui %lt3A_47 : i1 to i32
      %cond3A_49 = arith.constant 0 : i32
      %cond3A_50 = arith.cmpi ne, %convert_element_type3A_48, %cond3A_49 : i32
      scf.if %cond3A_50 {
        %add3A_90 = arith.constant 1 : i32
        %add3A_91 = arith.addi %scan3A_42, %add3A_90 : i32
        %rem3A_92 = arith.constant 2 : i32
        %rem3A_93 = arith.remsi %add3A_91, %rem3A_92 : i32
        %mul3A_94 = arith.constant 256 : i32
        %mul3A_95 = arith.muli %add3A_91, %mul3A_94 : i32
        %add3A_96 = arith.addi %mul3A_2, %mul3A_95 : i32
        "tpu.region"() ({
          %run_scoped3A = tpu.sem_alloc : memref<!tpu.dma_semaphore, #tpu.memory_space<semaphore_mem>>
          %dma_start3A_117 = arith.constant 0 : i32
          %dma_start3A_118 = tpu.memref_slice %arg5[%rem3A_93, %dma_start3A_117] : memref<2x256xi32, #tpu.memory_space<vmem>> -> memref<1x256xi32, #tpu.memory_space<vmem>>
          %dma_start3A_119 = tpu.memref_squeeze %dma_start3A_118 : memref<1x256xi32, #tpu.memory_space<vmem>> -> memref<256xi32, #tpu.memory_space<vmem>>
          %dma_start3A_120 = tpu.memref_slice %arg3[%add3A_96] : memref<204800xi32, #tpu.memory_space<hbm>> -> memref<256xi32, #tpu.memory_space<hbm>>
          %dma_start3A_121 = arith.constant 0 : i32
          %dma_start3A_122 = tpu.memref_slice %arg5[%rem3A_93, %dma_start3A_121] : memref<2x256xi32, #tpu.memory_space<vmem>> -> memref<1x256xi32, #tpu.memory_space<vmem>>
          %dma_start3A_123 = tpu.memref_squeeze %dma_start3A_122 : memref<1x256xi32, #tpu.memory_space<vmem>> -> memref<256xi32, #tpu.memory_space<vmem>>
          %dma_start3A_124 = tpu.memref_slice %arg3[%add3A_96] : memref<204800xi32, #tpu.memory_space<hbm>> -> memref<256xi32, #tpu.memory_space<hbm>>
          tpu.enqueue_dma source(%dma_start3A_124 : memref<256xi32, #tpu.memory_space<hbm>>) target(%dma_start3A_123 : memref<256xi32, #tpu.memory_space<vmem>>) target_semaphore(%run_scoped3A : memref<!tpu.dma_semaphore, #tpu.memory_space<semaphore_mem>>)
          %dma_wait3A_125 = arith.constant 0 : i32
          %dma_wait3A_126 = tpu.memref_slice %arg5[%rem3A_93, %dma_wait3A_125] : memref<2x256xi32, #tpu.memory_space<vmem>> -> memref<1x256xi32, #tpu.memory_space<vmem>>
          %dma_wait3A_127 = tpu.memref_squeeze %dma_wait3A_126 : memref<1x256xi32, #tpu.memory_space<vmem>> -> memref<256xi32, #tpu.memory_space<vmem>>
          %dma_wait3A_128 = tpu.memref_slice %arg3[%add3A_96] : memref<204800xi32, #tpu.memory_space<hbm>> -> memref<256xi32, #tpu.memory_space<hbm>>
          %dma_wait3A_129 = arith.constant 0 : i32
          %dma_wait3A_130 = tpu.memref_slice %arg5[%rem3A_93, %dma_wait3A_129] : memref<2x256xi32, #tpu.memory_space<vmem>> -> memref<1x256xi32, #tpu.memory_space<vmem>>
          %dma_wait3A_131 = tpu.memref_squeeze %dma_wait3A_130 : memref<1x256xi32, #tpu.memory_space<vmem>> -> memref<256xi32, #tpu.memory_space<vmem>>
          %dma_wait3A_132 = tpu.memref_slice %arg3[%add3A_96] : memref<204800xi32, #tpu.memory_space<hbm>> -> memref<256xi32, #tpu.memory_space<hbm>>
          tpu.wait_dma2 semaphore(%run_scoped3A : memref<!tpu.dma_semaphore, #tpu.memory_space<semaphore_mem>>) src(%dma_wait3A_132 : memref<256xi32, #tpu.memory_space<hbm>>) dst(%dma_wait3A_131 : memref<256xi32, #tpu.memory_space<vmem>>)
          tpu.yield
        }) : () -> ()
        %dma_start3A_97 = arith.constant 0 : i32
        %dma_start3A_98 = arith.constant 0 : i32
        %dma_start3A_99 = tpu.memref_slice %arg6[%rem3A_93, %dma_start3A_97, %dma_start3A_98] : memref<2x256x128xf32, #tpu.memory_space<vmem>> -> memref<1x128x128xf32, #tpu.memory_space<vmem>>
        %dma_start3A_100 = tpu.memref_squeeze %dma_start3A_99 : memref<1x128x128xf32, #tpu.memory_space<vmem>> -> memref<128x128xf32, #tpu.memory_space<vmem>>
        %dma_start3A_101 = arith.constant 0 : i32
        %dma_start3A_102 = tpu.memref_slice %arg5[%rem3A_93, %dma_start3A_101] : memref<2x256xi32, #tpu.memory_space<vmem>> -> memref<1x128xi32, #tpu.memory_space<vmem>>
        %dma_start3A_103 = tpu.memref_squeeze %dma_start3A_102 : memref<1x128xi32, #tpu.memory_space<vmem>> -> memref<128xi32, #tpu.memory_space<vmem>>
        %dma_start3A_104 = arith.constant 0 : i32
        %dma_start3A_105 = arith.constant 0 : i32
        %dma_start3A_106 = tpu.memref_slice %arg2[%dma_start3A_104, %dma_start3A_105] : memref<1000000x128xf32, #tpu.memory_space<hbm>> -> memref<1000000x128xf32, #tpu.memory_space<hbm>>
        tpu.enqueue_indirect_dma source(%dma_start3A_106 : memref<1000000x128xf32, #tpu.memory_space<hbm>>) target(%dma_start3A_100 : memref<128x128xf32, #tpu.memory_space<vmem>>) offsets(%dma_start3A_103 : memref<128xi32, #tpu.memory_space<vmem>>) semaphore(%arg7 : memref<!tpu.dma_semaphore, #tpu.memory_space<semaphore_mem>>)
        %dma_start3A_107 = arith.constant 128 : i32
        %dma_start3A_108 = arith.constant 0 : i32
        %dma_start3A_109 = tpu.memref_slice %arg6[%rem3A_93, %dma_start3A_107, %dma_start3A_108] : memref<2x256x128xf32, #tpu.memory_space<vmem>> -> memref<1x128x128xf32, #tpu.memory_space<vmem>>
        %dma_start3A_110 = tpu.memref_squeeze %dma_start3A_109 : memref<1x128x128xf32, #tpu.memory_space<vmem>> -> memref<128x128xf32, #tpu.memory_space<vmem>>
        %dma_start3A_111 = arith.constant 128 : i32
        %dma_start3A_112 = tpu.memref_slice %arg5[%rem3A_93, %dma_start3A_111] : memref<2x256xi32, #tpu.memory_space<vmem>> -> memref<1x128xi32, #tpu.memory_space<vmem>>
        %dma_start3A_113 = tpu.memref_squeeze %dma_start3A_112 : memref<1x128xi32, #tpu.memory_space<vmem>> -> memref<128xi32, #tpu.memory_space<vmem>>
        %dma_start3A_114 = arith.constant 0 : i32
        %dma_start3A_115 = arith.constant 0 : i32
        %dma_start3A_116 = tpu.memref_slice %arg2[%dma_start3A_114, %dma_start3A_115] : memref<1000000x128xf32, #tpu.memory_space<hbm>> -> memref<1000000x128xf32, #tpu.memory_space<hbm>>
        tpu.enqueue_indirect_dma source(%dma_start3A_116 : memref<1000000x128xf32, #tpu.memory_space<hbm>>) target(%dma_start3A_110 : memref<128x128xf32, #tpu.memory_space<vmem>>) offsets(%dma_start3A_113 : memref<128xi32, #tpu.memory_space<vmem>>) semaphore(%arg7 : memref<!tpu.dma_semaphore, #tpu.memory_space<semaphore_mem>>)
      } else {
      }
      %rem3A_51 = arith.constant 2 : i32
      %rem3A_52 = arith.remsi %scan3A_42, %rem3A_51 : i32
      %dma_wait3A_53 = arith.constant 0 : i32
      %dma_wait3A_54 = arith.constant 0 : i32
      %dma_wait3A_55 = tpu.memref_slice %arg6[%rem3A_52, %dma_wait3A_53, %dma_wait3A_54] : memref<2x256x128xf32, #tpu.memory_space<vmem>> -> memref<1x128x128xf32, #tpu.memory_space<vmem>>
      %dma_wait3A_56 = tpu.memref_squeeze %dma_wait3A_55 : memref<1x128x128xf32, #tpu.memory_space<vmem>> -> memref<128x128xf32, #tpu.memory_space<vmem>>
      %dma_wait3A_57 = arith.constant 0 : i32
      %dma_wait3A_58 = tpu.memref_slice %arg5[%rem3A_52, %dma_wait3A_57] : memref<2x256xi32, #tpu.memory_space<vmem>> -> memref<1x128xi32, #tpu.memory_space<vmem>>
      %dma_wait3A_59 = tpu.memref_squeeze %dma_wait3A_58 : memref<1x128xi32, #tpu.memory_space<vmem>> -> memref<128xi32, #tpu.memory_space<vmem>>
      %dma_wait3A_60 = arith.constant 0 : i32
      %dma_wait3A_61 = arith.constant 0 : i32
      %dma_wait3A_62 = tpu.memref_slice %arg2[%dma_wait3A_60, %dma_wait3A_61] : memref<1000000x128xf32, #tpu.memory_space<hbm>> -> memref<1000000x128xf32, #tpu.memory_space<hbm>>
      tpu.wait_indirect_dma semaphore(%arg7 : memref<!tpu.dma_semaphore, #tpu.memory_space<semaphore_mem>>) src(%dma_wait3A_62 : memref<1000000x128xf32, #tpu.memory_space<hbm>>) dst(%dma_wait3A_56 : memref<128x128xf32, #tpu.memory_space<vmem>>)
      %dma_wait3A_63 = arith.constant 128 : i32
      %dma_wait3A_64 = arith.constant 0 : i32
      %dma_wait3A_65 = tpu.memref_slice %arg6[%rem3A_52, %dma_wait3A_63, %dma_wait3A_64] : memref<2x256x128xf32, #tpu.memory_space<vmem>> -> memref<1x128x128xf32, #tpu.memory_space<vmem>>
      %dma_wait3A_66 = tpu.memref_squeeze %dma_wait3A_65 : memref<1x128x128xf32, #tpu.memory_space<vmem>> -> memref<128x128xf32, #tpu.memory_space<vmem>>
      %dma_wait3A_67 = arith.constant 128 : i32
      %dma_wait3A_68 = tpu.memref_slice %arg5[%rem3A_52, %dma_wait3A_67] : memref<2x256xi32, #tpu.memory_space<vmem>> -> memref<1x128xi32, #tpu.memory_space<vmem>>
      %dma_wait3A_69 = tpu.memref_squeeze %dma_wait3A_68 : memref<1x128xi32, #tpu.memory_space<vmem>> -> memref<128xi32, #tpu.memory_space<vmem>>
      %dma_wait3A_70 = arith.constant 0 : i32
      %dma_wait3A_71 = arith.constant 0 : i32
      %dma_wait3A_72 = tpu.memref_slice %arg2[%dma_wait3A_70, %dma_wait3A_71] : memref<1000000x128xf32, #tpu.memory_space<hbm>> -> memref<1000000x128xf32, #tpu.memory_space<hbm>>
      tpu.wait_indirect_dma semaphore(%arg7 : memref<!tpu.dma_semaphore, #tpu.memory_space<semaphore_mem>>) src(%dma_wait3A_72 : memref<1000000x128xf32, #tpu.memory_space<hbm>>) dst(%dma_wait3A_66 : memref<128x128xf32, #tpu.memory_space<vmem>>)
      %rem3A_73 = arith.constant 2 : i32
      %rem3A_74 = arith.remsi %scan3A_42, %rem3A_73 : i32
      %mul3A_75 = arith.constant 256 : i32
      %mul3A_76 = arith.muli %scan3A_42, %mul3A_75 : i32
      %add3A_77 = arith.addi %mul3A_2, %mul3A_76 : i32
      %dma_start3A_78 = arith.constant 0 : i32
      %dma_start3A_79 = arith.constant 0 : i32
      %dma_start3A_80 = tpu.memref_slice %arg6[%rem3A_74, %dma_start3A_78, %dma_start3A_79] : memref<2x256x128xf32, #tpu.memory_space<vmem>> -> memref<1x256x128xf32, #tpu.memory_space<vmem>>
      %dma_start3A_81 = tpu.memref_squeeze %dma_start3A_80 : memref<1x256x128xf32, #tpu.memory_space<vmem>> -> memref<256x128xf32, #tpu.memory_space<vmem>>
      %dma_start3A_82 = arith.constant 0 : i32
      %dma_start3A_83 = tpu.memref_slice %arg4[%add3A_77, %dma_start3A_82] : memref<204800x128xf32, #tpu.memory_space<hbm>> -> memref<256x128xf32, #tpu.memory_space<hbm>>
      %dma_start3A_84 = arith.constant 0 : i32
      %dma_start3A_85 = tpu.memref_slice %arg4[%add3A_77, %dma_start3A_84] : memref<204800x128xf32, #tpu.memory_space<hbm>> -> memref<256x128xf32, #tpu.memory_space<hbm>>
      %dma_start3A_86 = arith.constant 0 : i32
      %dma_start3A_87 = arith.constant 0 : i32
      %dma_start3A_88 = tpu.memref_slice %arg6[%rem3A_74, %dma_start3A_86, %dma_start3A_87] : memref<2x256x128xf32, #tpu.memory_space<vmem>> -> memref<1x256x128xf32, #tpu.memory_space<vmem>>
      %dma_start3A_89 = tpu.memref_squeeze %dma_start3A_88 : memref<1x256x128xf32, #tpu.memory_space<vmem>> -> memref<256x128xf32, #tpu.memory_space<vmem>>
      tpu.enqueue_dma source(%dma_start3A_89 : memref<256x128xf32, #tpu.memory_space<vmem>>) target(%dma_start3A_85 : memref<256x128xf32, #tpu.memory_space<hbm>>) target_semaphore(%arg8 : memref<!tpu.dma_semaphore, #tpu.memory_space<semaphore_mem>>)
    }
    %scan3A_29 = arith.constant 25 : i32
    %dma_wait3A = arith.constant 0 : i32
    %dma_wait3A_30 = arith.constant 0 : i32
    %dma_wait3A_31 = arith.constant 0 : i32
    %dma_wait3A_32 = tpu.memref_slice %arg6[%dma_wait3A, %dma_wait3A_30, %dma_wait3A_31] : memref<2x256x128xf32, #tpu.memory_space<vmem>> -> memref<1x256x128xf32, #tpu.memory_space<vmem>>
    %dma_wait3A_33 = tpu.memref_squeeze %dma_wait3A_32 : memref<1x256x128xf32, #tpu.memory_space<vmem>> -> memref<256x128xf32, #tpu.memory_space<vmem>>
    %dma_wait3A_34 = arith.constant 0 : i32
    %dma_wait3A_35 = tpu.memref_slice %arg4[%mul3A_2, %dma_wait3A_34] : memref<204800x128xf32, #tpu.memory_space<hbm>> -> memref<256x128xf32, #tpu.memory_space<hbm>>
    %dma_wait3A_36 = arith.constant 0 : i32
    %dma_wait3A_37 = tpu.memref_slice %arg4[%mul3A_2, %dma_wait3A_36] : memref<204800x128xf32, #tpu.memory_space<hbm>> -> memref<256x128xf32, #tpu.memory_space<hbm>>
    %dma_wait3A_38 = arith.constant 0 : i32
    %dma_wait3A_39 = arith.constant 0 : i32
    %dma_wait3A_40 = tpu.memref_slice %arg6[%dma_wait3A, %dma_wait3A_38, %dma_wait3A_39] : memref<2x256x128xf32, #tpu.memory_space<vmem>> -> memref<1x256x128xf32, #tpu.memory_space<vmem>>
    %dma_wait3A_41 = tpu.memref_squeeze %dma_wait3A_40 : memref<1x256x128xf32, #tpu.memory_space<vmem>> -> memref<256x128xf32, #tpu.memory_space<vmem>>
    tpu.wait_dma2 semaphore(%arg8 : memref<!tpu.dma_semaphore, #tpu.memory_space<semaphore_mem>>) src(%dma_wait3A_41 : memref<256x128xf32, #tpu.memory_space<vmem>>) dst(%dma_wait3A_37 : memref<256x128xf32, #tpu.memory_space<hbm>>)
    return
  }
}

module attributes {stable_mosaic.version = 14 : i64} {
  func.func @_ln_body(%arg0: i32, %arg1: memref<32x200x128xf32, #tpu.memory_space<vmem>>, %arg2: memref<1x200x64xf32, #tpu.memory_space<vmem>>, %arg3: memref<1x1x64xf32, #tpu.memory_space<vmem>>, %arg4: memref<1x1x64xf32, #tpu.memory_space<vmem>>, %arg5: memref<32x200x64xf32, #tpu.memory_space<vmem>>) attributes {dimension_semantics = [#tpu.dimension_semantics<arbitrary>], iteration_bounds = array<i64: 32>, scalar_prefetch = 0 : i64, scratch_operands = 0 : i64, tpu.core_type = #tpu.core_type<tc>, window_params = [{transform_indices = @transform_0, window_bounds = array<i64: 32, 200, 128>}, {pipeline_mode = #tpu.pipeline_mode<synchronous>, transform_indices = @transform_1, window_bounds = array<i64: 1, 200, 64>}, {pipeline_mode = #tpu.pipeline_mode<synchronous>, transform_indices = @transform_2, window_bounds = array<i64: 1, 1, 64>}, {pipeline_mode = #tpu.pipeline_mode<synchronous>, transform_indices = @transform_3, window_bounds = array<i64: 1, 1, 64>}, {transform_indices = @transform_4, window_bounds = array<i64: 32, 200, 64>}]} {
    %get3A = arith.constant 0 : index
    %get3A_0 = arith.constant 0 : index
    %get3A_1 = arith.constant 0 : index
    %get3A_2 = vector.load %arg1[%get3A, %get3A_0, %get3A_1] : memref<32x200x128xf32, #tpu.memory_space<vmem>>, vector<32x200x64xf32>
    %get3A_3 = arith.constant 0 : index
    %get3A_4 = arith.constant 0 : index
    %get3A_5 = arith.constant 0 : index
    %get3A_6 = vector.load %arg2[%get3A_3, %get3A_4, %get3A_5] : memref<1x200x64xf32, #tpu.memory_space<vmem>>, vector<1x200x64xf32>
    %add3A = vector.broadcast %get3A_6 : vector<1x200x64xf32> to vector<32x200x64xf32>
    %add3A_7 = arith.addf %get3A_2, %add3A : vector<32x200x64xf32>
    %reduce_sum3A = arith.constant dense<0.000000e+00> : vector<32x200xf32>
    %reduce_sum3A_8 = vector.multi_reduction <add>, %add3A_7, %reduce_sum3A [2] : vector<32x200x64xf32> to vector<32x200xf32>
    %broadcast_in_dim3A = vector.shape_cast %reduce_sum3A_8 : vector<32x200xf32> to vector<32x200x1xf32>
    %div3A = arith.constant 6.400000e+01 : f32
    %div3A_9 = vector.broadcast %div3A : f32 to vector<32x200x1xf32>
    %div3A_10 = arith.divf %broadcast_in_dim3A, %div3A_9 : vector<32x200x1xf32>
    %sub3A = vector.broadcast %div3A_10 : vector<32x200x1xf32> to vector<32x200x64xf32>
    %sub3A_11 = arith.subf %add3A_7, %sub3A : vector<32x200x64xf32>
    %square3A = arith.mulf %sub3A_11, %sub3A_11 : vector<32x200x64xf32>
    %reduce_sum3A_12 = arith.constant dense<0.000000e+00> : vector<32x200xf32>
    %reduce_sum3A_13 = vector.multi_reduction <add>, %square3A, %reduce_sum3A_12 [2] : vector<32x200x64xf32> to vector<32x200xf32>
    %broadcast_in_dim3A_14 = vector.shape_cast %reduce_sum3A_13 : vector<32x200xf32> to vector<32x200x1xf32>
    %div3A_15 = arith.constant 6.400000e+01 : f32
    %div3A_16 = vector.broadcast %div3A_15 : f32 to vector<32x200x1xf32>
    %div3A_17 = arith.divf %broadcast_in_dim3A_14, %div3A_16 : vector<32x200x1xf32>
    %sub3A_18 = vector.broadcast %div3A_10 : vector<32x200x1xf32> to vector<32x200x64xf32>
    %sub3A_19 = arith.subf %add3A_7, %sub3A_18 : vector<32x200x64xf32>
    %add3A_20 = arith.constant 9.99999974E-6 : f32
    %add3A_21 = vector.broadcast %add3A_20 : f32 to vector<32x200x1xf32>
    %add3A_22 = arith.addf %div3A_17, %add3A_21 : vector<32x200x1xf32>
    %rsqrt3A = math.rsqrt %add3A_22 : vector<32x200x1xf32>
    %mul3A = vector.broadcast %rsqrt3A : vector<32x200x1xf32> to vector<32x200x64xf32>
    %mul3A_23 = arith.mulf %sub3A_19, %mul3A : vector<32x200x64xf32>
    %get3A_24 = arith.constant 0 : index
    %get3A_25 = arith.constant 0 : index
    %get3A_26 = arith.constant 0 : index
    %get3A_27 = vector.load %arg3[%get3A_24, %get3A_25, %get3A_26] : memref<1x1x64xf32, #tpu.memory_space<vmem>>, vector<1x1x64xf32>
    %mul3A_28 = vector.broadcast %get3A_27 : vector<1x1x64xf32> to vector<32x200x64xf32>
    %mul3A_29 = arith.mulf %mul3A_23, %mul3A_28 : vector<32x200x64xf32>
    %get3A_30 = arith.constant 0 : index
    %get3A_31 = arith.constant 0 : index
    %get3A_32 = arith.constant 0 : index
    %get3A_33 = vector.load %arg4[%get3A_30, %get3A_31, %get3A_32] : memref<1x1x64xf32, #tpu.memory_space<vmem>>, vector<1x1x64xf32>
    %add3A_34 = vector.broadcast %get3A_33 : vector<1x1x64xf32> to vector<32x200x64xf32>
    %add3A_35 = arith.addf %mul3A_29, %add3A_34 : vector<32x200x64xf32>
    %swap3A = arith.constant 0 : index
    %swap3A_36 = arith.constant 0 : index
    %swap3A_37 = arith.constant 0 : index
    %swap3A_38 = vector.load %arg5[%swap3A, %swap3A_36, %swap3A_37] : memref<32x200x64xf32, #tpu.memory_space<vmem>>, vector<32x200x64xf32>
    tpu.vector_store %arg5[%swap3A, %swap3A_36, %swap3A_37], %add3A_35 {strides = array<i32>} : memref<32x200x64xf32, #tpu.memory_space<vmem>>, vector<32x200x64xf32>,
    return
  }
  func.func @transform_0(%arg0: i32) -> (i32, i32, i32) {
    %c0_i32 = arith.constant 0 : i32
    %c0_i32_0 = arith.constant 0 : i32
    %c0_i32_1 = arith.constant 0 : i32
    return %arg0, %c0_i32, %c0_i32_0 : i32, i32, i32
  }
  func.func @transform_1(%arg0: i32) -> (i32, i32, i32) {
    %c0_i32 = arith.constant 0 : i32
    %c0_i32_0 = arith.constant 0 : i32
    %c0_i32_1 = arith.constant 0 : i32
    %c0_i32_2 = arith.constant 0 : i32
    return %c0_i32, %c0_i32_0, %c0_i32_1 : i32, i32, i32
  }
  func.func @transform_2(%arg0: i32) -> (i32, i32, i32) {
    %c0_i32 = arith.constant 0 : i32
    %c0_i32_0 = arith.constant 0 : i32
    %c0_i32_1 = arith.constant 0 : i32
    %c0_i32_2 = arith.constant 0 : i32
    return %c0_i32, %c0_i32_0, %c0_i32_1 : i32, i32, i32
  }
  func.func @transform_3(%arg0: i32) -> (i32, i32, i32) {
    %c0_i32 = arith.constant 0 : i32
    %c0_i32_0 = arith.constant 0 : i32
    %c0_i32_1 = arith.constant 0 : i32
    %c0_i32_2 = arith.constant 0 : i32
    return %c0_i32, %c0_i32_0, %c0_i32_1 : i32, i32, i32
  }
  func.func @transform_4(%arg0: i32) -> (i32, i32, i32) {
    %c0_i32 = arith.constant 0 : i32
    %c0_i32_0 = arith.constant 0 : i32
    %c0_i32_1 = arith.constant 0 : i32
    return %arg0, %c0_i32, %c0_i32_0 : i32, i32, i32
  }
}

</mosaic_0001>

<sc_bundles>
// kernel: kernel.4.cloned.1.call-start
scs
__scs_entry_jumppad:
0x0: {  	(pc) =	sbr.rel $0x88, $3  }
0x1: {  	(tag) =	ssettag $0x0;
	lr =	simm.s32 $0x1  }
0x2: {  	[smem:$0x3F9D] =	sst lr;
	_ =	strace $0xD0000000  }
0x3: {  	_ = 	snop  }
0x4: {  	_ = 	snop  }
0x5: {  	_ = 	snop  }
0x6: {  	_ = 	snop  }
0x7: {  	_ = 	snop  }
__scs_overlays_trampoline_lowered:
0x8: {  	[smem:$0x3FAC] =	sst s0  }
0x9: {  	[smem:$0x3FAD] =	sst s1  }
0xa: {  	[smem:$0x3FAE] =	sst s2  }
0xb: {  	[smem:$0x3FAF] =	sst s3  }
0xc: {  	[smem:$0x3FB0] =	sst s4  }
0xd: {  	[smem:$0x3FB1] =	sst s5  }
0xe: {  	[smem:$0x3FB2] =	sst s6  }
0xf: {  	[smem:$0x3FB3] =	sst s7  }
0x10: {  	[smem:$0x3FB4] =	sst s8  }
0x11: {  	[smem:$0x3FB5] =	sst s9;
	s0 =	simm.s32 @!p0 $0x0  }
0x12: {  	s1 =	sld [smem:$0x3F9B];
	s0 =	simm.s32 @p0 $0x1  }
0x13: {  	[smem:$0x3FB6] =	sst s0;
	s0 =	simm.s32 @!p1 $0x0  }
0x14: {  	s2 =	sld [smem:$0x3F9A];
	s0 =	simm.s32 @p1 $0x1  }
0x15: {  	[smem:$0x3FB7] =	sst s0;
	s0 =	simm.s32 @!p2 $0x0  }
0x16: {  	s3 =	sld [smem:$0x3FDB];
	s0 =	simm.s32 @p2 $0x1  }
0x17: {  	s4 =	simm.s32 $0x1BF5;
	[smem:$0x3FB9] =	sst s0  }
0x18: {  	s0 =	sld [smem:$0x3F9C];
	_ =	swait.ge [sflag:s4], $0x0  }
0x19: {  	s7 =	sld [smem:$0x3F9D]  }
0x1a: {  	s8 =	sadd.s32 $0xFFFFE003, lr  }
0x1b: {  	s9 =	sadd.s32 $0xFFFFFEF7, lr;
	s5 =	simm.s32 $0xFFFFFFFF;
	p2 =	slt.u32 s8, $0xFFFFF086  }
0x1c: {  	p1 =	slt.u32 s9, $0xF7A;
	s5 =	simm.s32 @!p2 $0x0  }
0x1d: {  	s5 =	simm.s32 @p1 $0x1;
	p0 =	seq.s32 s7, s2  }
0x1e: {  	s7 =	smul.u32 @!p0 $0xF7A, s2;
	p2 =	seq.s32 @!p0 s5, $0x0  }
0x1f: {  	s9 =	smul.u32 $0xF7A, s1;
	s8 =	simm.s32 @!p0 $0x1BF5;
	p2 =	por !p2, p0  }
0x20: {  	[sflag:s8] =	ssyncset.s32 @!p0 $0xFFFFF086;
	s6 =	sadd.s32 @!p0 s3, s7;
	s7 =	simm.s32 @!p0 $0x108  }
0x21: {  	s3 =	sadd.s32 s3, s9;
	s6 =	sadd.s32 @!p0 $0x88, s6;
	s7 =	simm.s32 @p2 $0x1082  }
0x22: {  	[simem:s7], [sflag:s8] =	dma.local @!p0 [hbm:s6], $0xF7A  }
0x23: {  	s9 =	sor.u32 $0xD0000000, s2;
	s6 =	simm.s32 $0x108;
	_ =	swait.ge @!p0 [sflag:s8], $0x0  }
0x24: {  	s3 =	sadd.s32 $0x88, s3;
	s6 =	simm.s32 @!p1 $0x1082;
	[sflag:s4] =	ssyncset.s32 $0xFFFFF086  }
0x25: {  	[simem:s6], [sflag:s4] =	dma.local [hbm:s3], $0xF7A  }
0x26: {  	[smem:$0x3F9D] =	sst s1;
	(tag) =	ssettag s2;
	_ =	strace s9  }
0x27: {  	s1 =	sld [smem:$0x3FAD]  }
0x28: {  	s2 =	sld [smem:$0x3FAE]  }
0x29: {  	s4 =	sld [smem:$0x3FB0]  }
0x2a: {  	p0 =	seq.s32 s5, $0x0;
	s5 =	sld [smem:$0x3FB1]  }
0x2b: {  	s6 =	sld [smem:$0x3FB2]  }
0x2c: {  	s7 =	sld [smem:$0x3FB3]  }
0x2d: {  	s3 =	simm.s32 $0x108;
	s8 =	sld [smem:$0x3FB4]  }
0x2e: {  	s3 =	simm.s32 @!p0 $0x1082;
	s9 =	sld [smem:$0x3FB5]  }
0x2f: {  	lr =	sadd.s32 s0, s3;
	s0 =	sld [smem:$0x3FAC]  }
0x30: {  	s3 =	sld [smem:$0x3FAF]  }
0x31: {  	[smem:$0x3FB8] =	sst s10  }
0x32: {  	s10 =	sld [smem:$0x3FB6];
	_ =	sdelay $0x3  }
0x33: {  	p0 =	seq.s32 s10, $0x1;
	s10 =	sld [smem:$0x3FB8];
	_ =	sdelay $0x3  }
0x34: {  	[smem:$0x3FB8] =	sst s10  }
0x35: {  	s10 =	sld [smem:$0x3FB7];
	_ =	sdelay $0x3  }
0x36: {  	p1 =	seq.s32 s10, $0x1;
	s10 =	sld [smem:$0x3FB8];
	_ =	sdelay $0x3  }
0x37: {  	[smem:$0x3FB8] =	sst s10  }
0x38: {  	s10 =	sld [smem:$0x3FB9]  }
0x39: {  	_ = 	snop;
	(pc) =	sbr.ind lr, $3  }
0x3a: {  	_ = 	snop  }
0x3b: {  	_ = 	snop  }
0x3c: {  	p2 =	seq.s32 s10, $0x1;
	s10 =	sld [smem:$0x3FB8]  }
0x3d: {  	_ =	shalt  }
0x3e: {  	_ =	shalt  }
0x3f: {  	_ =	shalt  }
0x40: {  	_ =	shalt  }
0x41: {  	_ =	shalt  }
0x42: {  	_ =	shalt  }
0x43: {  	_ =	shalt  }
0x44: {  	_ =	shalt  }
0x45: {  	_ =	shalt  }
0x46: {  	_ =	shalt  }
0x47: {  	_ =	shalt  }
0x48: {  	_ =	shalt  }
0x49: {  	_ =	shalt  }
0x4a: {  	_ =	shalt  }
0x4b: {  	_ =	shalt  }
0x4c: {  	_ =	shalt  }
0x4d: {  	_ =	shalt  }
0x4e: {  	_ =	shalt  }
0x4f: {  	_ =	shalt  }
0x50: {  	_ =	shalt  }
0x51: {  	_ =	shalt  }
0x52: {  	_ =	shalt  }
0x53: {  	_ =	shalt  }
0x54: {  	_ =	shalt  }
0x55: {  	_ =	shalt  }
0x56: {  	_ =	shalt  }
0x57: {  	_ =	shalt  }
0x58: {  	_ =	shalt  }
0x59: {  	_ =	shalt  }
0x5a: {  	_ =	shalt  }
0x5b: {  	_ =	shalt  }
0x5c: {  	_ =	shalt  }
0x5d: {  	_ =	shalt  }
0x5e: {  	_ =	shalt  }
0x5f: {  	_ =	shalt  }
0x60: {  	_ =	shalt  }
0x61: {  	_ =	shalt  }
0x62: {  	_ =	shalt  }
0x63: {  	_ =	shalt  }
0x64: {  	_ =	shalt  }
0x65: {  	_ =	shalt  }
0x66: {  	_ =	shalt  }
0x67: {  	_ =	shalt  }
0x68: {  	_ =	shalt  }
0x69: {  	_ =	shalt  }
0x6a: {  	_ =	shalt  }
0x6b: {  	_ =	shalt  }
0x6c: {  	_ =	shalt  }
0x6d: {  	_ =	shalt  }
0x6e: {  	_ =	shalt  }
0x6f: {  	_ =	shalt  }
0x70: {  	_ =	shalt  }
0x71: {  	_ =	shalt  }
0x72: {  	_ =	shalt  }
0x73: {  	_ =	shalt  }
0x74: {  	_ =	shalt  }
0x75: {  	_ =	shalt  }
0x76: {  	_ =	shalt  }
0x77: {  	_ =	shalt  }
0x78: {  	_ =	shalt  }
0x79: {  	_ =	shalt  }
0x7a: {  	_ =	shalt  }
0x7b: {  	_ =	shalt  }
0x7c: {  	_ =	shalt  }
0x7d: {  	_ =	shalt  }
0x7e: {  	_ =	shalt  }
0x7f: {  	_ =	shalt  }
0x80: {  	_ =	shalt  }
0x81: {  	_ =	shalt  }
0x82: {  	_ =	shalt  }
0x83: {  	_ =	shalt  }
0x84: {  	_ =	shalt  }
0x85: {  	_ =	shalt  }
0x86: {  	_ =	shalt  }
0x87: {  	_ =	shalt  }
.Lfunc_end0:
.L_simem_size_0:
called_computation_lowered:
.L_overlay_start_0:
0x88: {  	s2 =	sld [smem:$0x3FD9]  }
0x89: {  	s3 =	sld [smem:$0x3FFE];
	_ =	sdelay $0x1  }
0x8a: {  	s1 =	srdreg.scid  }
0x8b: {  	s0 =	sand.u32 $0x1, s1  }
0x8c: {  	s17 =	sshll.u32 s0, $0xA;
	s2 =	sadd.s32 s3, s2  }
0x8d: {  	s2 =	sadd.s32 s2, s17  }
0x8e: {  	[smem:$0x3FC4] =	sst s2  }
0x8f: {  	_ = 	snop  }
0x90: {  	s2 =	sld [smem:$0x3FD0];
	(tm) =	ssettm $0x1  }
0x91: {  	s18 =	sld [smem:$0x3FFB];
	_ =	sdelay $0x3  }
0x92: {  	_ =	strace s18  }
0x93: {  	s3 =	sld [smem:$0x3FFC];
	_ =	sdelay $0x3  }
0x94: {  	_ =	strace s3  }
0x95: {  	s3 =	sld [smem:$0x3FFD];
	_ =	sdelay $0x3  }
0x96: {  	_ =	strace s3  }
0x97: {  	_ =	strace $0x8FFFFFFF  }
0x98: {  	s19 =	sld [smem:$0x3FDB];
	_ =	sdelay $0x1  }
0x99: {  	s4 =	simm.s32 $_scs_section_size  }
0x9a: {  	s5 =	simm.s32 $_size__tile_overlayer_lowered;
	s6 =	simm.s32 $_tile_overlayer_lowered  }
0x9b: {  	s22 =	simm.s32 $0x1BFF;
	s21 =	sshll.u32 s6, $0x1;
	s3 =	sadd.s32 s4, s19  }
0x9c: {  	s7 =	simm.s32 $0x0;
	s20 =	sshll.u32 s5, $0x1;
	s5 =	sadd.s32 s21, s3  }
0x9d: {  	[timem:s7], [sflag:s22] =	dma.local [hbm:s5], s20  }
0x9e: {  	_ =	swait.ge [sflag:s22], s20  }
0x9f: {  	s4 =	ssub.s32 $0x0, s20;
	[sflag:s22] =	ssyncset.done $0x0  }
0xa0: {  	[sflag:s22] =	ssyncadd.s32 s4;
	_ =	sdelay $0x1  }
0xa1: {  	s23 =	simm.s32 $0x1B8B  }
0xa2: {  	_ =	swait.ge [sflag:s23], $0x1  }
0xa3: {  	[sflag:s23] =	ssyncset.done $0x0  }
0xa4: {  	s25 =	simm.s32 $0x1B8E;
	s24 =	sld [smem:$0x3FFE];
	[sflag:s23] =	ssyncadd.s32 $0xFFFFFFFF  }
0xa5: {  	s26 =	simm.s32 $execute0_lowered;
	[smem:$0x3FD2] =	sst s25  }
0xa6: {  	s5 =	sshll.u32 s26, $0x1;
	_ =	strace $0x80000046;
	[dreg:$0x1] =	wrdreg $0xFFFFFFFF  }
0xa7: {  	s28 =	simm.s32 $_size_execute0_lowered;
	s3 =	sadd.s32 s3, s5;
	[dreg:$0x0] =	wrdreg $0x0  }
0xa8: {  	s5 =	sshll.u32 s28, $0x1;
	[dreg:$0x2] =	wrdreg s3  }
0xa9: {  	[dreg:$0x3] =	wrdreg s5  }
0xaa: {  	[dreg:$0x4] =	wrdreg $0xC0  }
0xab: {  	_ =	task [dreg:s7], $0x5FFFF  }
0xac: {  	[dreg:$0x1] =	wrdreg $0xFFFFFFFF  }
0xad: {  	[dreg:$0x0] =	wrdreg $0x60  }
0xae: {  	[dreg:$0x2] =	wrdreg s24  }
0xaf: {  	[dreg:$0x3] =	wrdreg s2  }
0xb0: {  	[dreg:$0x4] =	wrdreg $0x9  }
0xb1: {  	_ =	task.clear_ibuf [dreg:s7], $0x5FFFF;
	_ =	strace $0x90000046  }
0xb2: {  	s29 =	simm.s32 $0x9;
	_ =	strace $0x80000048  }
0xb3: {  	_ =	swait.ge [sflag:s29], $0x1  }
0xb4: {  	[sflag:s29] =	ssyncadd.s32 $0xFFFFFFFF  }
0xb5: {  	_ =	strace $0x90000048  }
0xb6: {  	_ =	sfence  }
0xb7: {  	s30 =	sld [smem:$0x0];
	_ =	sdelay $0x2  }
0xb8: {  	s31 =	sshll.u32 s1, $0xD;
	s1 =	sshrl.u32 s1, $0x2  }
0xb9: {  	s3 =	sand.u32 $0x4000, s31;
	s1 =	sadd.s32 s1, s30  }
0xba: {  	s0 =	sor.u32 s3, s0;
	s1 =	sshll.u32 s1, $0x11  }
0xbb: {  	s0 =	sor.u32 s1, s0  }
0xbc: {  	s0 =	sadd.s32 $0x8F2B, s0  }
0xbd: {  	[sflag:s0] =	ssyncadd.remote.s32 $0x1  }
0xbe: {  	_ =	sfence.sel $0xFFFF  }
0xbf: {  	[dreg:$0x0] =	wrdreg $0xFFFFFFFF;
	(pc) =	sbr.abs _section_cstart, $3  }
0xc0: {  	[dreg:$0x1] =	wrdreg $0xFFFFFFFF  }
0xc1: {  	_ =	task.clear_ibuf [dreg:s7], $0x2FFFF;
	_ =	strace $0x9FFFFFFF  }
0xc2: {  	(tm) =	ssettm $0x7FFFFFFF  }
0xc3: {  	_ =	shalt  }
tec
execute0_lowered:
.L_overlay_start_1:
0x0: {  	(tag) =	ssettag $0x1  }
0x1: {  	s6 =	rddreg [dreg:$0x0];
	s1 =	srdreg.scid  }
0x2: {  	s0 =	stileid.u32;
	s2 =	rddreg [dreg:$0x1];
	s3 =	simm.s32 $0x0  }
0x3: {  	s11 =	simm.s32 $0x80;
	s12 =	simm.s32 $0x200;
	s13 =	simm.s32 $0x4200  }
0x4: {  	s14 =	simm.s32 $0x1;
	s15 =	simm.s32 $0x2;
	s16 =	simm.s32 $0x0  }
0x5: {  	s5 =	sand.u32 $0x1, s1;
	s4 =	sshll.u32 s0, $0x1;
	s1 =	rddreg [dreg:$0x2]  }
.Ltmp0:
0x6: {  	[smem:$0x7FF] =	sst s3;
	s8 =	sor.u32 s5, s4;
	(pc) =	sbr.rel .LBB2_1-.Ltmp0, $4  }
0x7: {  	_ =	strace $0x80000047;
	s7 =	ssub.s32 $0x2, s5;
	s4 =	smul.u32 $0x1900, s8  }
0x8: {  	s5 =	sadd.s32 $0xF43000, s6;
	s6 =	sadd.s32 $0xC00, s6;
	s9 =	sshrl.u32 s7, $0x1  }
0x9: {  	s8 =	smul.u32 $0xC8000, s8;
	s9 =	ssub.s32 s7, s9;
	s10 =	sshrl.u32 s4, $0x3  }
0xa: {  	s9 =	smax.u32 s9, $0x1;
	s7 =	sadd.s32 s2, s10;
	s10 =	simm.s32 $0x3  }
.LBB2_5:
0xb: {  	s16 =	sadd.s32 $0x1, s16  }
0xc: {  	p0 =	sne.s32 s16, s9  }
.Ltmp1:
0xd: {  	_ = 	snop;
	(pc) =	sbr.rel @!p0 .LBB2_6-.Ltmp1, $4  }
0xe: {  	_ = 	snop  }
0xf: {  	_ =	swait.ge [sflag:s15], $0x8000  }
0x10: {  	[sflag:s15] =	ssyncset.done $0x0  }
0x11: {  	[sflag:s15] =	ssyncadd.s32 $0xFFFF8000  }
.LBB2_1:
0x12: {  	[tilespmem:s3], [sflag:$0x3] =	stream.linear.gather [hbm4b:s7+s3], $0x100, $0x38;
	[tilespmem:$0x10200] =	vst v63  }
0x13: {  	_ =	swait.ge [sflag:s10], $0x100  }
.Ltmp2:
0x14: {  	[sflag:s10] =	ssyncset.done $0x0;
	(pc) =	sbr.rel .LBB2_2-.Ltmp2, $4  }
0x15: {  	[sflag:s10] =	ssyncadd.s32 $0xFFFFFF00  }
0x16: {  	[tilespmem:s12], [sflag:$0x1] =	stream.indirect.gather [hbm4b:s5+s11], $0x80, s3, s11, $0xb8;
	[tilespmem:$0x10200] =	vst v63  }
0x17: {  	s17 =	simm.s32 $0x0  }
0x18: {  	[tilespmem:s13], [sflag:$0x1] =	stream.indirect.gather [hbm4b:s5+s11], $0x80, s11, s11, $0xb8;
	[tilespmem:$0x10200] =	vst v63  }
.LBB2_4:
0x19: {  	_ =	swait.ge [sflag:s14], $0x4000  }
0x1a: {  	[sflag:s14] =	ssyncset.done $0x0  }
0x1b: {  	s17 =	sshll.u32 s17, $0xF;
	p0 =	slt.u32 s18, $0x19;
	[sflag:s14] =	ssyncadd.s32 $0xFFFFC000  }
.Ltmp3:
0x1c: {  	s19 =	sadd.s32 s8, s17;
	_ =	swait.ge [sflag:s14], $0x4000;
	(pc) =	sbr.rel @!p0 .LBB2_5-.Ltmp3, $4  }
0x1d: {  	s17 =	sand.u32 $0x8000, s17;
	s19 =	sshrl.u32 s19, $0x3;
	[sflag:s14] =	ssyncset.done $0x0  }
0x1e: {  	s17 =	sor.u32 $0x200, s17;
	s19 =	sadd.s32 s6, s19;
	[sflag:s14] =	ssyncadd.s32 $0xFFFFC000  }
0x1f: {  	[hbm4b:s19+s3] =	stream.linear.scatter [tilespmem:s17], [sflag:$0x2], $0x8000, $0x38;
	[tilespmem:$0x10200] =	vst v63  }
0x20: {  	s17 =	smov.u32 s18  }
.LBB2_2:
0x21: {  	p0 =	seq.s32 s17, $0x0  }
0x22: {  	p1 =	seq.s32 @!p0 s17, $0x18  }
0x23: {  	p1 =	por p0, !p1  }
.Ltmp4:
0x24: {  	_ = 	snop;
	(pc) =	sbr.rel @!p1 .LBB2_4-.Ltmp4, $4  }
0x25: {  	s18 =	simm.s32 @!p0 $0x2  }
0x26: {  	_ =	swait.ge @!p0 [sflag:s18], $0x8000  }
0x27: {  	[sflag:s18] =	ssyncset.done @!p0 $0x0  }
0x28: {  	[sflag:s18] =	ssyncadd.s32 @!p0 $0xFFFF8000;
	s18 =	simm.s32 @!p0 $0x19  }
0x29: {  	s18 =	sadd.s32 @!p0 $0x1, s17  }
0x2a: {  	s18 =	simm.s32 @p0 $0x1  }
0x2b: {  	s19 =	sshll.u32 s18, $0x8  }
0x2c: {  	s19 =	sadd.s32 s4, s19  }
0x2d: {  	s20 =	sand.u32 $0x1, s18;
	s19 =	sshrl.u32 s19, $0x3  }
0x2e: {  	s21 =	sshll.u32 s20, $0x8;
	s19 =	sadd.s32 s2, s19  }
0x2f: {  	[tilespmem:s21], [sflag:$0x3] =	stream.linear.gather [hbm4b:s19+s3], $0x100, $0x38;
	[tilespmem:$0x10200] =	vst v63  }
0x30: {  	_ =	swait.ge [sflag:s10], $0x100  }
.Ltmp5:
0x31: {  	s30 =	sshll.u32 s20, $0xF;
	[sflag:s10] =	ssyncset.done $0x0;
	(pc) =	sbr.rel .LBB2_4-.Ltmp5, $4  }
0x32: {  	s20 =	sor.u32 $0x200, s30;
	[sflag:s10] =	ssyncadd.s32 $0xFFFFFF00  }
0x33: {  	[tilespmem:s20], [sflag:$0x1] =	stream.indirect.gather [hbm4b:s5+s11], $0x80, s21, s11, $0xb8;
	[tilespmem:$0x10200] =	vst v63  }
0x34: {  	s31 =	sor.u32 $0x80, s21;
	s19 =	sor.u32 $0x4200, s30  }
0x35: {  	[tilespmem:s19], [sflag:$0x1] =	stream.indirect.gather [hbm4b:s5+s11], $0x80, s31, s11, $0xb8;
	[tilespmem:$0x10200] =	vst v63  }
.LBB2_6:
0x36: {  	_ =	sfence.sel $0x180000  }
0x37: {  	[bflag:$0x0] =	sbarrier.arrive $0xFFFF  }
0x38: {  	p0 =	sne.s32 s0, $0x0;
	_ =	strace $0x90000047  }
0x39: {  	s0 =	sadd.s32 @!p0 $0x100000, s1;
	[bflag:$0x2] =	sbarrier.arrive $0xFFFF  }
0x3a: {  	[sflag:s0] =	ssyncadd.tile.s32 @!p0 $0x1;
	_ =	shalt  }
.Lfunc_end2:
_tile_overlayer_lowered:
.L_overlay_start_2:
0x3b: {  	(tag) =	ssettag $0x2  }
0x3c: {  	s0 =	rddreg [dreg:$0x0];
	s2 =	stileid.u32  }
0x3d: {  	s1 =	rddreg [dreg:$0x1];
	p0 =	sne.s32 s2, $0x0  }
0x3e: {  	s3 =	rddreg [dreg:$0x2];
	[bflag:$0x3] =	sbarrier.arrive $0xFFFF;
	s2 =	simm.s32 @!p0 $0x1C03  }
0x3f: {  	[timem:s3], [sflag:s2] =	dma.local @!p0 [hbm:s0], s1  }
0x40: {  	s0 =	simm.s32 @!p0 $0x3  }
0x41: {  	_ =	swait.ge @!p0 [sflag:s0], s1  }
0x42: {  	s1 =	ssub.s32 @!p0 $0x0, s1;
	[sflag:s0] =	ssyncset.done @!p0 $0x0  }
0x43: {  	[sflag:s0] =	ssyncadd.s32 @!p0 s1  }
0x44: {  	[bflag:$0x3] =	sbarrier.arrive $0xFFFF  }
0x45: {  	_ =	shalt  }

</sc_bundles>
